<compile_context>
chip_gen: v7x
topology: tpu7x:2x2x1
jax: 0.10.2.dev20260603
libtpu: 0.0.44.dev20260713+nightly
codegen_flags: <defaults>
</compile_context>

<pallas_src>
import functools

import jax
import jax.numpy as jnp
from jax import lax
from jax.experimental import pallas as pl
from jax.experimental.pallas import tpu as pltpu
from jax.experimental.pallas import tpu_sc as plsc

N = 50000
E = 800000
FIN = 96
HID = 128
W = 16
NC1 = FIN // W
NP = 50048
EB = 128
JB = 196
EPT = EB * JB
NTILE = 32
EPAD = EPT * NTILE
RPT = NP // 16
BLK = 2000
NB = N // BLK

_mesh = plsc.VectorSubcoreMesh(core_axis_name="c", subcore_axis_name="s")
_sc_params = pltpu.CompilerParams(use_tc_tiling_on_sc=False)



def _deg_body(dst_hbm, ones_hbm, z_hbm, out_hbm, dst_v, ones_v, acc, *ssems):
    c = lax.axis_index("c")
    s = lax.axis_index("s")
    wid = c * 16 + s
    pltpu.sync_copy(dst_hbm.at[wid], dst_v)
    pltpu.sync_copy(ones_hbm, ones_v)
    pltpu.sync_copy(z_hbm.at[pl.ds(s * RPT, RPT)], acc.at[pl.ds(s * RPT, RPT)])
    plsc.subcore_barrier()

    for b in range(4):
        pltpu.async_copy(ones_v, acc.at[dst_v.at[b]], ssems[b], add=True)

    @pl.loop(4, JB, step=4)
    def _(j):
        for b in range(4):
            pltpu.make_async_copy(
                ones_v, acc.at[dst_v.at[j - 4 + b]], ssems[b]).wait()
            pltpu.async_copy(ones_v, acc.at[dst_v.at[j + b]], ssems[b],
                             add=True)

    for b in range(4):
        pltpu.make_async_copy(
            ones_v, acc.at[dst_v.at[JB - 4 + b]], ssems[b]).wait()

    plsc.subcore_barrier()
    pltpu.sync_copy(acc.at[pl.ds(s * RPT, RPT)],
                    out_hbm.at[c].at[pl.ds(s * RPT, RPT)])


@jax.jit
def _deg_call(dstp, ones16, z16):
    f = pl.kernel(
        _deg_body,
        out_type=jax.ShapeDtypeStruct((2, NP, W), jnp.float32),
        mesh=_mesh,
        scratch_types=[
            pltpu.VMEM((JB, EB), jnp.int32),
            pltpu.VMEM((EB, W), jnp.float32),
            pltpu.VMEM_SHARED((NP, W), jnp.float32),
        ] + [pltpu.SemaphoreType.DMA] * 4,
        compiler_params=_sc_params,
    )
    return f(dstp, ones16, z16)


def _prop_body(nchunk, *refs):
    src_hbm, dst_hbm, z_hbm = refs[:3]
    tabs = refs[3:3 + nchunk]
    outs = refs[3 + nchunk:3 + 2 * nchunk]
    rest = refs[3 + 2 * nchunk:]
    src_v, dst_v = rest[0], rest[1]
    rows = rest[2:6]
    acc = rest[6]
    gsems = rest[7:11]
    ssems = rest[11:15]

    c = lax.axis_index("c")
    s = lax.axis_index("s")
    wid = c * 16 + s
    pltpu.sync_copy(src_hbm.at[wid], src_v)
    pltpu.sync_copy(dst_hbm.at[wid], dst_v)

    for k in range(nchunk):
        tab = tabs[k]

        @pl.when(c == 0)
        def _():
            pltpu.sync_copy(tab.at[pl.ds(s * RPT, RPT)],
                            acc.at[pl.ds(s * RPT, RPT)])

        @pl.when(c == 1)
        def _():
            pltpu.sync_copy(z_hbm.at[pl.ds(s * RPT, RPT)],
                            acc.at[pl.ds(s * RPT, RPT)])

        plsc.subcore_barrier()

        for b in range(4):
            pltpu.async_copy(tab.at[src_v.at[b]], rows[b], gsems[b])

        @pl.loop(0, JB, step=4)
        def _(j):
            for b in range(4):
                pltpu.make_async_copy(
                    tab.at[src_v.at[j + b]], rows[b], gsems[b]).wait()
                pltpu.async_copy(
                    rows[b], acc.at[dst_v.at[j + b]], ssems[b], add=True)
            for b in range(4):
                @pl.when(j + b + 4 < JB)
                def _():
                    pltpu.make_async_copy(
                        rows[b], acc.at[dst_v.at[j + b]], ssems[b]).wait()
                    pltpu.async_copy(
                        tab.at[src_v.at[j + b + 4]], rows[b], gsems[b])

        for b in range(4):
            pltpu.make_async_copy(
                rows[b], acc.at[dst_v.at[JB - 4 + b]], ssems[b]).wait()

        plsc.subcore_barrier()
        pltpu.sync_copy(acc.at[pl.ds(s * RPT, RPT)],
                        outs[k].at[c].at[pl.ds(s * RPT, RPT)])
        if k + 1 < nchunk:
            plsc.subcore_barrier()


def _prop_call(nchunk, srcp, dstp, z16, *tabs):
    f = pl.kernel(
        functools.partial(_prop_body, nchunk),
        out_type=[jax.ShapeDtypeStruct((2, NP, W), jnp.float32)] * nchunk,
        mesh=_mesh,
        scratch_types=[
            pltpu.VMEM((JB, EB), jnp.int32),
            pltpu.VMEM((JB, EB), jnp.int32),
        ] + [pltpu.VMEM((EB, W), jnp.float32)] * 4 + [
            pltpu.VMEM_SHARED((NP, W), jnp.float32),
        ] + [pltpu.SemaphoreType.DMA] * 8,
        compiler_params=_sc_params,
    )
    return f(srcp, dstp, z16, *tabs)


_prop6_call = jax.jit(functools.partial(_prop_call, NC1))
_prop1_call = jax.jit(functools.partial(_prop_call, 1))



def _t1_body(deg_ref, l_ref, dinv_ref, *lc_refs):
    d = deg_ref[0, :, 0:1] + deg_ref[1, :, 0:1] + 1.0
    dinv = lax.rsqrt(d)
    dinv_ref[...] = dinv
    lp = l_ref[...] * dinv
    for k in range(NC1):
        lc_refs[k][...] = lp[:, k * W:(k + 1) * W]


@jax.jit
def _t1_call(deg, L):
    return pl.pallas_call(
        _t1_body,
        grid=(NB,),
        in_specs=[
            pl.BlockSpec((2, BLK, W), lambda i: (0, i, 0)),
            pl.BlockSpec((BLK, FIN), lambda i: (i, 0)),
        ],
        out_specs=[pl.BlockSpec((BLK, 1), lambda i: (i, 0))] +
                  [pl.BlockSpec((BLK, W), lambda i: (i, 0))] * NC1,
        out_shape=[jax.ShapeDtypeStruct((N, 1), jnp.float32)] +
                  [jax.ShapeDtypeStruct((NP, W), jnp.float32)] * NC1,
    )(deg, L)


def _ta_body(*refs):
    accs = refs[:NC1]
    dinv, w1, b1, h_ref, st_ref = refs[NC1:]
    dv = dinv[...]
    z = jnp.concatenate(
        [(accs[k][0] + accs[k][1]) * dv for k in range(NC1)], axis=1)
    h = jnp.dot(z, w1[...], preferred_element_type=jnp.float32) + b1[...]
    h_ref[...] = h

    @pl.when(pl.program_id(0) == 0)
    def _():
        st_ref[...] = jnp.zeros_like(st_ref)

    st_ref[0:1, :] += jnp.sum(h, axis=0, keepdims=True)
    st_ref[1:2, :] += jnp.sum(h * h, axis=0, keepdims=True)


@jax.jit
def _ta_call(accs, dinv, W1, b1):
    acc_spec = pl.BlockSpec((2, BLK, W), lambda i: (0, i, 0))
    return pl.pallas_call(
        _ta_body,
        grid=(NB,),
        in_specs=[acc_spec] * NC1 + [
            pl.BlockSpec((BLK, 1), lambda i: (i, 0)),
            pl.BlockSpec((FIN, HID), lambda i: (0, 0)),
            pl.BlockSpec((1, HID), lambda i: (0, 0)),
        ],
        out_specs=[
            pl.BlockSpec((BLK, HID), lambda i: (i, 0)),
            pl.BlockSpec((8, HID), lambda i: (0, 0)),
        ],
        out_shape=[
            jax.ShapeDtypeStruct((N, HID), jnp.float32),
            jax.ShapeDtypeStruct((8, HID), jnp.float32),
        ],
    )(*accs, dinv, W1, b1)


def _tb_body(h, st, g1, be1, dinv, w2p, gp_ref):
    inv_n = 1.0 / N
    m = st[0:1, :] * inv_n
    v = st[1:2, :] * inv_n - m * m
    y = jnp.maximum((h[...] - m) * lax.rsqrt(v + 1e-5) * g1[...] + be1[...],
                    0.0)
    g = jnp.dot(y, w2p[...], preferred_element_type=jnp.float32)
    gp_ref[...] = g * dinv[...]


@jax.jit
def _tb_call(H, st1, g1, be1, dinv, W2p):
    return pl.pallas_call(
        _tb_body,
        grid=(NB,),
        in_specs=[
            pl.BlockSpec((BLK, HID), lambda i: (i, 0)),
            pl.BlockSpec((8, HID), lambda i: (0, 0)),
            pl.BlockSpec((1, HID), lambda i: (0, 0)),
            pl.BlockSpec((1, HID), lambda i: (0, 0)),
            pl.BlockSpec((BLK, 1), lambda i: (i, 0)),
            pl.BlockSpec((HID, W), lambda i: (0, 0)),
        ],
        out_specs=pl.BlockSpec((BLK, W), lambda i: (i, 0)),
        out_shape=jax.ShapeDtypeStruct((NP, W), jnp.float32),
    )(H, st1, g1, be1, dinv, W2p)


def _tc1_body(a2, dinv, b2p, s_ref, st_ref):
    s = (a2[0] + a2[1]) * dinv[...] + b2p[...]
    s_ref[...] = s

    @pl.when(pl.program_id(0) == 0)
    def _():
        st_ref[...] = jnp.zeros_like(st_ref)

    st_ref[0:1, :] += jnp.sum(s, axis=0, keepdims=True)
    st_ref[1:2, :] += jnp.sum(s * s, axis=0, keepdims=True)


@jax.jit
def _tc1_call(a2, dinv, b2p):
    return pl.pallas_call(
        _tc1_body,
        grid=(NB,),
        in_specs=[
            pl.BlockSpec((2, BLK, W), lambda i: (0, i, 0)),
            pl.BlockSpec((BLK, 1), lambda i: (i, 0)),
            pl.BlockSpec((1, W), lambda i: (0, 0)),
        ],
        out_specs=[
            pl.BlockSpec((BLK, W), lambda i: (i, 0)),
            pl.BlockSpec((8, W), lambda i: (0, 0)),
        ],
        out_shape=[
            jax.ShapeDtypeStruct((N, W), jnp.float32),
            jax.ShapeDtypeStruct((8, W), jnp.float32),
        ],
    )(a2, dinv, b2p)


def _tc2_body(s, st, g2p, be2p, out_ref):
    inv_n = 1.0 / N
    m = st[0:1, :] * inv_n
    v = st[1:2, :] * inv_n - m * m
    b = (s[...] - m) * lax.rsqrt(v + 1e-5) * g2p[...] + be2p[...]
    t = b[:, 0:2]
    mx = jnp.max(t, axis=1, keepdims=True)
    e = jnp.exp(t - mx)
    out_ref[...] = e / jnp.sum(e, axis=1, keepdims=True)


@jax.jit
def _tc2_call(S, st2, g2p, be2p):
    return pl.pallas_call(
        _tc2_body,
        grid=(NB,),
        in_specs=[
            pl.BlockSpec((BLK, W), lambda i: (i, 0)),
            pl.BlockSpec((8, W), lambda i: (0, 0)),
            pl.BlockSpec((1, W), lambda i: (0, 0)),
            pl.BlockSpec((1, W), lambda i: (0, 0)),
        ],
        out_specs=pl.BlockSpec((BLK, 2), lambda i: (i, 0)),
        out_shape=jax.ShapeDtypeStruct((N, 2), jnp.float32),
    )(S, st2, g2p, be2p)



def kernel(edge_index, X, u_Y, W1, b1, W2, b2, g1, be1, g2, be2):
    ei = edge_index.astype(jnp.int32)
    pad = EPAD - E
    srcp = jnp.concatenate([ei[0], jnp.zeros((pad,), jnp.int32)])
    srcp = srcp.reshape(NTILE, JB, EB)
    dstp = jnp.concatenate([ei[1], jnp.full((pad,), N, jnp.int32)])
    dstp = dstp.reshape(NTILE, JB, EB)

    ones16 = jnp.ones((EB, W), jnp.float32)
    z16 = jnp.zeros((NP, W), jnp.float32)

    deg = _deg_call(dstp, ones16, z16)

    L = jnp.concatenate([u_Y, X], axis=1)
    t1 = _t1_call(deg, L)
    dinv, lcs = t1[0], t1[1:]

    accs = _prop6_call(srcp, dstp, z16, *lcs)

    H, st1 = _ta_call(accs, dinv, W1, b1.reshape(1, HID))

    W2p = jnp.pad(W2, ((0, 0), (0, W - 2)))
    Gp = _tb_call(H, st1, g1.reshape(1, HID), be1.reshape(1, HID), dinv, W2p)

    (a20,) = _prop1_call(srcp, dstp, z16, Gp)

    b2p = jnp.pad(b2, (0, W - 2)).reshape(1, W)
    g2p = jnp.pad(g2, (0, W - 2)).reshape(1, W)
    be2p = jnp.pad(be2, (0, W - 2)).reshape(1, W)
    S, st2 = _tc1_call(a20, dinv, b2p)
    return _tc2_call(S, st2, g2p, be2p)

# --- scband reference (transcript-rebuilt; emitter-appended) ---
"""Pipeline reference for scband-y-decoder-12137577578918 (READ-ONLY COPY).

The authoritative reference and input builder live on the scoring server;
editing this copy changes nothing except your own understanding.
"""

import jax, jax.numpy as jnp
import numpy as np

N = 50000
E = 800000
NUM_FEATS = 64
LATENT = 32
HIDDEN = 128


def setup_inputs(seed: int = 0) -> dict:
    key = jax.random.key(seed)
    ks = jax.random.split(key, 8)
    edge_index = jax.random.randint(ks[0], (2, E), 0, N)
    X = jax.random.normal(ks[1], (N, NUM_FEATS), dtype=jnp.float32)
    u_Y = jax.random.normal(ks[2], (N, LATENT), dtype=jnp.float32)
    W1 = jax.random.normal(ks[3], (NUM_FEATS + LATENT, HIDDEN), dtype=jnp.float32) / jnp.sqrt(float(NUM_FEATS + LATENT))
    b1 = jnp.zeros((HIDDEN,), dtype=jnp.float32)
    W2 = jax.random.normal(ks[4], (HIDDEN, 2), dtype=jnp.float32) / jnp.sqrt(float(HIDDEN))
    b2 = jnp.zeros((2,), dtype=jnp.float32)
    g1 = jnp.ones((HIDDEN,), dtype=jnp.float32)
    be1 = jnp.zeros((HIDDEN,), dtype=jnp.float32)
    g2 = jnp.ones((2,), dtype=jnp.float32)
    be2 = jnp.zeros((2,), dtype=jnp.float32)
    return {"edge_index": edge_index, "X": X, "u_Y": u_Y, "W1": W1, "b1": b1, "W2": W2, "b2": b2, "g1": g1, "be1": be1, "g2": g2, "be2": be2}


def _gcn_conv(x, W, b, src, dst, n):
    # PyG GCNConv: linear transform, add self-loops, symmetric normalization, scatter-add to dst
    h = x @ W
    loop = jnp.arange(n)
    s = jnp.concatenate([src, loop])
    d = jnp.concatenate([dst, loop])
    deg = jnp.zeros((n,), dtype=h.dtype).at[d].add(1.0)
    dinv = jnp.where(deg > 0, 1.0 / jnp.sqrt(deg), 0.0)
    norm = dinv[s] * dinv[d]
    msg = h[s] * norm[:, None]
    out = jax.ops.segment_sum(msg, d, num_segments=n)
    return out + b


def _batch_norm(y, gamma, beta, eps=1e-5):
    m = jnp.mean(y, axis=0)
    v = jnp.var(y, axis=0)
    return (y - m) / jnp.sqrt(v + eps) * gamma + beta


def reference(edge_index, X, u_Y, W1, b1, W2, b2, g1, be1, g2, be2):
    src = edge_index[0]
    dst = edge_index[1]
    n = X.shape[0]
    latent = jnp.concatenate([u_Y, X], axis=1)
    Y = _gcn_conv(latent, W1, b1, src, dst, n)
    Y = _batch_norm(Y, g1, be1)
    Y = jax.nn.relu(Y)
    Y = _gcn_conv(Y, W2, b2, src, dst, n)
    Y = _batch_norm(Y, g2, be2)
    return jax.nn.softmax(Y, axis=1)

if __name__ == "__main__":
    import jax
    _d = setup_inputs()
    print(jax.jit(kernel)(*tuple(_d.values())))

</pallas_src>

<mosaic_0001>
#map = affine_map<(d0, d1) -> (0, 0, 0)>
#map1 = affine_map<(d0, d1) -> (0, 0)>
module attributes {stable_mosaic.version = 14 : i64} {
  func.func @_deg_body(%arg0: i32, %arg1: i32, %arg2: memref<32x196x128xi32, #tpu.memory_space<hbm>>, %arg3: memref<128x16xf32, #tpu.memory_space<hbm>>, %arg4: memref<50048x16xf32, #tpu.memory_space<hbm>>, %arg5: memref<2x50048x16xf32, #tpu.memory_space<hbm>>, %arg6: memref<196x128xi32, #tpu.memory_space<vmem>>, %arg7: memref<128x16xf32, #tpu.memory_space<vmem>>, %arg8: memref<50048x16xf32, #tpu.memory_space<vmem_shared>>, %arg9: memref<!tpu.dma_semaphore, #tpu.memory_space<semaphore_mem>>, %arg10: memref<!tpu.dma_semaphore, #tpu.memory_space<semaphore_mem>>, %arg11: memref<!tpu.dma_semaphore, #tpu.memory_space<semaphore_mem>>, %arg12: memref<!tpu.dma_semaphore, #tpu.memory_space<semaphore_mem>>) attributes {dimension_semantics = [#tpu.dimension_semantics<core_parallel>, #tpu.dimension_semantics<subcore_parallel>], iteration_bounds = array<i64: 2, 16>, scalar_prefetch = 0 : i64, scratch_operands = 7 : i64, tpu.core_type = #tpu.core_type<sc_vector_subcore>, window_params = [{transform_indices = #map}, {transform_indices = #map1}, {transform_indices = #map1}, {transform_indices = #map}]} {
    %mul3A = arith.constant 16 : i32
    %mul3A_0 = arith.muli %arg0, %mul3A : i32
    %add3A = arith.addi %mul3A_0, %arg1 : i32
    "tpu.region"() ({
      %run_scoped3A = tpu.sem_alloc : memref<!tpu.dma_semaphore, #tpu.memory_space<semaphore_mem>>
      %dma_start3A_68 = arith.constant 0 : i32
      %dma_start3A_69 = arith.constant 0 : i32
      %dma_start3A_70 = tpu.memref_slice %arg2[%add3A, %dma_start3A_68, %dma_start3A_69] : memref<32x196x128xi32, #tpu.memory_space<hbm>> -> memref<1x196x128xi32, #tpu.memory_space<hbm>>
      %dma_start3A_71 = tpu.memref_squeeze %dma_start3A_70 : memref<1x196x128xi32, #tpu.memory_space<hbm>> -> memref<196x128xi32, #tpu.memory_space<hbm>>
      %dma_start3A_72 = arith.constant 0 : i32
      %dma_start3A_73 = arith.constant 0 : i32
      %dma_start3A_74 = tpu.memref_slice %arg2[%add3A, %dma_start3A_72, %dma_start3A_73] : memref<32x196x128xi32, #tpu.memory_space<hbm>> -> memref<1x196x128xi32, #tpu.memory_space<hbm>>
      %dma_start3A_75 = tpu.memref_squeeze %dma_start3A_74 : memref<1x196x128xi32, #tpu.memory_space<hbm>> -> memref<196x128xi32, #tpu.memory_space<hbm>>
      tpu.enqueue_dma source(%dma_start3A_75 : memref<196x128xi32, #tpu.memory_space<hbm>>) target(%arg6 : memref<196x128xi32, #tpu.memory_space<vmem>>) target_semaphore(%run_scoped3A : memref<!tpu.dma_semaphore, #tpu.memory_space<semaphore_mem>>)
      %dma_wait3A_76 = arith.constant 0 : i32
      %dma_wait3A_77 = arith.constant 0 : i32
      %dma_wait3A_78 = tpu.memref_slice %arg2[%add3A, %dma_wait3A_76, %dma_wait3A_77] : memref<32x196x128xi32, #tpu.memory_space<hbm>> -> memref<1x196x128xi32, #tpu.memory_space<hbm>>
      %dma_wait3A_79 = tpu.memref_squeeze %dma_wait3A_78 : memref<1x196x128xi32, #tpu.memory_space<hbm>> -> memref<196x128xi32, #tpu.memory_space<hbm>>
      %dma_wait3A_80 = arith.constant 0 : i32
      %dma_wait3A_81 = arith.constant 0 : i32
      %dma_wait3A_82 = tpu.memref_slice %arg2[%add3A, %dma_wait3A_80, %dma_wait3A_81] : memref<32x196x128xi32, #tpu.memory_space<hbm>> -> memref<1x196x128xi32, #tpu.memory_space<hbm>>
      %dma_wait3A_83 = tpu.memref_squeeze %dma_wait3A_82 : memref<1x196x128xi32, #tpu.memory_space<hbm>> -> memref<196x128xi32, #tpu.memory_space<hbm>>
      tpu.wait_dma2 semaphore(%run_scoped3A : memref<!tpu.dma_semaphore, #tpu.memory_space<semaphore_mem>>) src(%dma_wait3A_83 : memref<196x128xi32, #tpu.memory_space<hbm>>) dst(%arg6 : memref<196x128xi32, #tpu.memory_space<vmem>>)
      tpu.yield
    }) : () -> ()
    "tpu.region"() ({
      %run_scoped3A = tpu.sem_alloc : memref<!tpu.dma_semaphore, #tpu.memory_space<semaphore_mem>>
      tpu.enqueue_dma source(%arg3 : memref<128x16xf32, #tpu.memory_space<hbm>>) target(%arg7 : memref<128x16xf32, #tpu.memory_space<vmem>>) target_semaphore(%run_scoped3A : memref<!tpu.dma_semaphore, #tpu.memory_space<semaphore_mem>>)
      tpu.wait_dma2 semaphore(%run_scoped3A : memref<!tpu.dma_semaphore, #tpu.memory_space<semaphore_mem>>) src(%arg3 : memref<128x16xf32, #tpu.memory_space<hbm>>) dst(%arg7 : memref<128x16xf32, #tpu.memory_space<vmem>>)
      tpu.yield
    }) : () -> ()
    %mul3A_1 = arith.constant 3128 : i32
    %mul3A_2 = arith.muli %arg1, %mul3A_1 : i32
    %mul3A_3 = arith.constant 3128 : i32
    %mul3A_4 = arith.muli %arg1, %mul3A_3 : i32
    "tpu.region"() ({
      %run_scoped3A = tpu.sem_alloc : memref<!tpu.dma_semaphore, #tpu.memory_space<semaphore_mem>>
      %dma_start3A_68 = arith.constant 0 : i32
      %dma_start3A_69 = tpu.memref_slice %arg8[%mul3A_4, %dma_start3A_68] : memref<50048x16xf32, #tpu.memory_space<vmem_shared>> -> memref<3128x16xf32, #tpu.memory_space<vmem_shared>>
      %dma_start3A_70 = arith.constant 0 : i32
      %dma_start3A_71 = tpu.memref_slice %arg4[%mul3A_2, %dma_start3A_70] : memref<50048x16xf32, #tpu.memory_space<hbm>> -> memref<3128x16xf32, #tpu.memory_space<hbm>>
      tpu.enqueue_dma source(%dma_start3A_71 : memref<3128x16xf32, #tpu.memory_space<hbm>>) target(%dma_start3A_69 : memref<3128x16xf32, #tpu.memory_space<vmem_shared>>) target_semaphore(%run_scoped3A : memref<!tpu.dma_semaphore, #tpu.memory_space<semaphore_mem>>)
      %dma_wait3A_72 = arith.constant 0 : i32
      %dma_wait3A_73 = tpu.memref_slice %arg8[%mul3A_4, %dma_wait3A_72] : memref<50048x16xf32, #tpu.memory_space<vmem_shared>> -> memref<3128x16xf32, #tpu.memory_space<vmem_shared>>
      %dma_wait3A_74 = arith.constant 0 : i32
      %dma_wait3A_75 = tpu.memref_slice %arg4[%mul3A_2, %dma_wait3A_74] : memref<50048x16xf32, #tpu.memory_space<hbm>> -> memref<3128x16xf32, #tpu.memory_space<hbm>>
      tpu.wait_dma2 semaphore(%run_scoped3A : memref<!tpu.dma_semaphore, #tpu.memory_space<semaphore_mem>>) src(%dma_wait3A_75 : memref<3128x16xf32, #tpu.memory_space<hbm>>) dst(%dma_wait3A_73 : memref<3128x16xf32, #tpu.memory_space<vmem_shared>>)
      tpu.yield
    }) : () -> ()
    %barrier3A = arith.constant 0 : index
    tpu.barrier barrier_id(%barrier3A)
    %dma_start3A = arith.constant 0 : i32
    %dma_start3A_5 = arith.constant 0 : i32
    %dma_start3A_6 = tpu.memref_slice %arg6[%dma_start3A, %dma_start3A_5] : memref<196x128xi32, #tpu.memory_space<vmem>> -> memref<1x128xi32, #tpu.memory_space<vmem>>
    %dma_start3A_7 = tpu.memref_squeeze %dma_start3A_6 : memref<1x128xi32, #tpu.memory_space<vmem>> -> memref<128xi32, #tpu.memory_space<vmem>>
    %dma_start3A_8 = arith.constant 0 : i32
    %dma_start3A_9 = arith.constant 0 : i32
    %dma_start3A_10 = tpu.memref_slice %arg8[%dma_start3A_8, %dma_start3A_9] : memref<50048x16xf32, #tpu.memory_space<vmem_shared>> -> memref<50048x16xf32, #tpu.memory_space<vmem_shared>>
    tpu.enqueue_indirect_dma source(%arg7 : memref<128x16xf32, #tpu.memory_space<vmem>>) target(%dma_start3A_10 : memref<50048x16xf32, #tpu.memory_space<vmem_shared>>) offsets(%dma_start3A_7 : memref<128xi32, #tpu.memory_space<vmem>>) semaphore(%arg9 : memref<!tpu.dma_semaphore, #tpu.memory_space<semaphore_mem>>) {add = true}
    %dma_start3A_11 = arith.constant 1 : i32
    %dma_start3A_12 = arith.constant 0 : i32
    %dma_start3A_13 = tpu.memref_slice %arg6[%dma_start3A_11, %dma_start3A_12] : memref<196x128xi32, #tpu.memory_space<vmem>> -> memref<1x128xi32, #tpu.memory_space<vmem>>
    %dma_start3A_14 = tpu.memref_squeeze %dma_start3A_13 : memref<1x128xi32, #tpu.memory_space<vmem>> -> memref<128xi32, #tpu.memory_space<vmem>>
    %dma_start3A_15 = arith.constant 0 : i32
    %dma_start3A_16 = arith.constant 0 : i32
    %dma_start3A_17 = tpu.memref_slice %arg8[%dma_start3A_15, %dma_start3A_16] : memref<50048x16xf32, #tpu.memory_space<vmem_shared>> -> memref<50048x16xf32, #tpu.memory_space<vmem_shared>>
    tpu.enqueue_indirect_dma source(%arg7 : memref<128x16xf32, #tpu.memory_space<vmem>>) target(%dma_start3A_17 : memref<50048x16xf32, #tpu.memory_space<vmem_shared>>) offsets(%dma_start3A_14 : memref<128xi32, #tpu.memory_space<vmem>>) semaphore(%arg10 : memref<!tpu.dma_semaphore, #tpu.memory_space<semaphore_mem>>) {add = true}
    %dma_start3A_18 = arith.constant 2 : i32
    %dma_start3A_19 = arith.constant 0 : i32
    %dma_start3A_20 = tpu.memref_slice %arg6[%dma_start3A_18, %dma_start3A_19] : memref<196x128xi32, #tpu.memory_space<vmem>> -> memref<1x128xi32, #tpu.memory_space<vmem>>
    %dma_start3A_21 = tpu.memref_squeeze %dma_start3A_20 : memref<1x128xi32, #tpu.memory_space<vmem>> -> memref<128xi32, #tpu.memory_space<vmem>>
    %dma_start3A_22 = arith.constant 0 : i32
    %dma_start3A_23 = arith.constant 0 : i32
    %dma_start3A_24 = tpu.memref_slice %arg8[%dma_start3A_22, %dma_start3A_23] : memref<50048x16xf32, #tpu.memory_space<vmem_shared>> -> memref<50048x16xf32, #tpu.memory_space<vmem_shared>>
    tpu.enqueue_indirect_dma source(%arg7 : memref<128x16xf32, #tpu.memory_space<vmem>>) target(%dma_start3A_24 : memref<50048x16xf32, #tpu.memory_space<vmem_shared>>) offsets(%dma_start3A_21 : memref<128xi32, #tpu.memory_space<vmem>>) semaphore(%arg11 : memref<!tpu.dma_semaphore, #tpu.memory_space<semaphore_mem>>) {add = true}
    %dma_start3A_25 = arith.constant 3 : i32
    %dma_start3A_26 = arith.constant 0 : i32
    %dma_start3A_27 = tpu.memref_slice %arg6[%dma_start3A_25, %dma_start3A_26] : memref<196x128xi32, #tpu.memory_space<vmem>> -> memref<1x128xi32, #tpu.memory_space<vmem>>
    %dma_start3A_28 = tpu.memref_squeeze %dma_start3A_27 : memref<1x128xi32, #tpu.memory_space<vmem>> -> memref<128xi32, #tpu.memory_space<vmem>>
    %dma_start3A_29 = arith.constant 0 : i32
    %dma_start3A_30 = arith.constant 0 : i32
    %dma_start3A_31 = tpu.memref_slice %arg8[%dma_start3A_29, %dma_start3A_30] : memref<50048x16xf32, #tpu.memory_space<vmem_shared>> -> memref<50048x16xf32, #tpu.memory_space<vmem_shared>>
    tpu.enqueue_indirect_dma source(%arg7 : memref<128x16xf32, #tpu.memory_space<vmem>>) target(%dma_start3A_31 : memref<50048x16xf32, #tpu.memory_space<vmem_shared>>) offsets(%dma_start3A_28 : memref<128xi32, #tpu.memory_space<vmem>>) semaphore(%arg12 : memref<!tpu.dma_semaphore, #tpu.memory_space<semaphore_mem>>) {add = true}
    %scan3A = arith.constant 0 : i32
    %scan3A_32 = arith.constant 48 : i32
    %scan3A_33 = arith.addi %scan3A, %scan3A_32 : i32
    %scan3A_34 = arith.constant 1 : i32
    scf.for %scan3A_68 = %scan3A to %scan3A_33 step %scan3A_34  : i32 {
      %mul3A_69 = arith.constant 4 : i32
      %mul3A_70 = arith.muli %scan3A_68, %mul3A_69 : i32
      %add3A_71 = arith.constant 4 : i32
      %add3A_72 = arith.addi %add3A_71, %mul3A_70 : i32
      %sub3A = arith.constant 4 : i32
      %sub3A_73 = arith.subi %add3A_72, %sub3A : i32
      %add3A_74 = arith.constant 0 : i32
      %add3A_75 = arith.addi %sub3A_73, %add3A_74 : i32
      %dma_wait3A_76 = arith.constant 0 : i32
      %dma_wait3A_77 = tpu.memref_slice %arg6[%add3A_75, %dma_wait3A_76] : memref<196x128xi32, #tpu.memory_space<vmem>> -> memref<1x128xi32, #tpu.memory_space<vmem>>
      %dma_wait3A_78 = tpu.memref_squeeze %dma_wait3A_77 : memref<1x128xi32, #tpu.memory_space<vmem>> -> memref<128xi32, #tpu.memory_space<vmem>>
      %dma_wait3A_79 = arith.constant 0 : i32
      %dma_wait3A_80 = arith.constant 0 : i32
      %dma_wait3A_81 = tpu.memref_slice %arg8[%dma_wait3A_79, %dma_wait3A_80] : memref<50048x16xf32, #tpu.memory_space<vmem_shared>> -> memref<50048x16xf32, #tpu.memory_space<vmem_shared>>
      tpu.wait_indirect_dma semaphore(%arg9 : memref<!tpu.dma_semaphore, #tpu.memory_space<semaphore_mem>>) src(%arg7 : memref<128x16xf32, #tpu.memory_space<vmem>>) dst(%dma_wait3A_81 : memref<50048x16xf32, #tpu.memory_space<vmem_shared>>)
      %add3A_82 = arith.constant 0 : i32
      %add3A_83 = arith.addi %add3A_72, %add3A_82 : i32
      %dma_start3A_84 = arith.constant 0 : i32
      %dma_start3A_85 = tpu.memref_slice %arg6[%add3A_83, %dma_start3A_84] : memref<196x128xi32, #tpu.memory_space<vmem>> -> memref<1x128xi32, #tpu.memory_space<vmem>>
      %dma_start3A_86 = tpu.memref_squeeze %dma_start3A_85 : memref<1x128xi32, #tpu.memory_space<vmem>> -> memref<128xi32, #tpu.memory_space<vmem>>
      %dma_start3A_87 = arith.constant 0 : i32
      %dma_start3A_88 = arith.constant 0 : i32
      %dma_start3A_89 = tpu.memref_slice %arg8[%dma_start3A_87, %dma_start3A_88] : memref<50048x16xf32, #tpu.memory_space<vmem_shared>> -> memref<50048x16xf32, #tpu.memory_space<vmem_shared>>
      tpu.enqueue_indirect_dma source(%arg7 : memref<128x16xf32, #tpu.memory_space<vmem>>) target(%dma_start3A_89 : memref<50048x16xf32, #tpu.memory_space<vmem_shared>>) offsets(%dma_start3A_86 : memref<128xi32, #tpu.memory_space<vmem>>) semaphore(%arg9 : memref<!tpu.dma_semaphore, #tpu.memory_space<semaphore_mem>>) {add = true}
      %sub3A_90 = arith.constant 4 : i32
      %sub3A_91 = arith.subi %add3A_72, %sub3A_90 : i32
      %add3A_92 = arith.constant 1 : i32
      %add3A_93 = arith.addi %sub3A_91, %add3A_92 : i32
      %dma_wait3A_94 = arith.constant 0 : i32
      %dma_wait3A_95 = tpu.memref_slice %arg6[%add3A_93, %dma_wait3A_94] : memref<196x128xi32, #tpu.memory_space<vmem>> -> memref<1x128xi32, #tpu.memory_space<vmem>>
      %dma_wait3A_96 = tpu.memref_squeeze %dma_wait3A_95 : memref<1x128xi32, #tpu.memory_space<vmem>> -> memref<128xi32, #tpu.memory_space<vmem>>
      %dma_wait3A_97 = arith.constant 0 : i32
      %dma_wait3A_98 = arith.constant 0 : i32
      %dma_wait3A_99 = tpu.memref_slice %arg8[%dma_wait3A_97, %dma_wait3A_98] : memref<50048x16xf32, #tpu.memory_space<vmem_shared>> -> memref<50048x16xf32, #tpu.memory_space<vmem_shared>>
      tpu.wait_indirect_dma semaphore(%arg10 : memref<!tpu.dma_semaphore, #tpu.memory_space<semaphore_mem>>) src(%arg7 : memref<128x16xf32, #tpu.memory_space<vmem>>) dst(%dma_wait3A_99 : memref<50048x16xf32, #tpu.memory_space<vmem_shared>>)
      %add3A_100 = arith.constant 1 : i32
      %add3A_101 = arith.addi %add3A_72, %add3A_100 : i32
      %dma_start3A_102 = arith.constant 0 : i32
      %dma_start3A_103 = tpu.memref_slice %arg6[%add3A_101, %dma_start3A_102] : memref<196x128xi32, #tpu.memory_space<vmem>> -> memref<1x128xi32, #tpu.memory_space<vmem>>
      %dma_start3A_104 = tpu.memref_squeeze %dma_start3A_103 : memref<1x128xi32, #tpu.memory_space<vmem>> -> memref<128xi32, #tpu.memory_space<vmem>>
      %dma_start3A_105 = arith.constant 0 : i32
      %dma_start3A_106 = arith.constant 0 : i32
      %dma_start3A_107 = tpu.memref_slice %arg8[%dma_start3A_105, %dma_start3A_106] : memref<50048x16xf32, #tpu.memory_space<vmem_shared>> -> memref<50048x16xf32, #tpu.memory_space<vmem_shared>>
      tpu.enqueue_indirect_dma source(%arg7 : memref<128x16xf32, #tpu.memory_space<vmem>>) target(%dma_start3A_107 : memref<50048x16xf32, #tpu.memory_space<vmem_shared>>) offsets(%dma_start3A_104 : memref<128xi32, #tpu.memory_space<vmem>>) semaphore(%arg10 : memref<!tpu.dma_semaphore, #tpu.memory_space<semaphore_mem>>) {add = true}
      %sub3A_108 = arith.constant 4 : i32
      %sub3A_109 = arith.subi %add3A_72, %sub3A_108 : i32
      %add3A_110 = arith.constant 2 : i32
      %add3A_111 = arith.addi %sub3A_109, %add3A_110 : i32
      %dma_wait3A_112 = arith.constant 0 : i32
      %dma_wait3A_113 = tpu.memref_slice %arg6[%add3A_111, %dma_wait3A_112] : memref<196x128xi32, #tpu.memory_space<vmem>> -> memref<1x128xi32, #tpu.memory_space<vmem>>
      %dma_wait3A_114 = tpu.memref_squeeze %dma_wait3A_113 : memref<1x128xi32, #tpu.memory_space<vmem>> -> memref<128xi32, #tpu.memory_space<vmem>>
      %dma_wait3A_115 = arith.constant 0 : i32
      %dma_wait3A_116 = arith.constant 0 : i32
      %dma_wait3A_117 = tpu.memref_slice %arg8[%dma_wait3A_115, %dma_wait3A_116] : memref<50048x16xf32, #tpu.memory_space<vmem_shared>> -> memref<50048x16xf32, #tpu.memory_space<vmem_shared>>
      tpu.wait_indirect_dma semaphore(%arg11 : memref<!tpu.dma_semaphore, #tpu.memory_space<semaphore_mem>>) src(%arg7 : memref<128x16xf32, #tpu.memory_space<vmem>>) dst(%dma_wait3A_117 : memref<50048x16xf32, #tpu.memory_space<vmem_shared>>)
      %add3A_118 = arith.constant 2 : i32
      %add3A_119 = arith.addi %add3A_72, %add3A_118 : i32
      %dma_start3A_120 = arith.constant 0 : i32
      %dma_start3A_121 = tpu.memref_slice %arg6[%add3A_119, %dma_start3A_120] : memref<196x128xi32, #tpu.memory_space<vmem>> -> memref<1x128xi32, #tpu.memory_space<vmem>>
      %dma_start3A_122 = tpu.memref_squeeze %dma_start3A_121 : memref<1x128xi32, #tpu.memory_space<vmem>> -> memref<128xi32, #tpu.memory_space<vmem>>
      %dma_start3A_123 = arith.constant 0 : i32
      %dma_start3A_124 = arith.constant 0 : i32
      %dma_start3A_125 = tpu.memref_slice %arg8[%dma_start3A_123, %dma_start3A_124] : memref<50048x16xf32, #tpu.memory_space<vmem_shared>> -> memref<50048x16xf32, #tpu.memory_space<vmem_shared>>
      tpu.enqueue_indirect_dma source(%arg7 : memref<128x16xf32, #tpu.memory_space<vmem>>) target(%dma_start3A_125 : memref<50048x16xf32, #tpu.memory_space<vmem_shared>>) offsets(%dma_start3A_122 : memref<128xi32, #tpu.memory_space<vmem>>) semaphore(%arg11 : memref<!tpu.dma_semaphore, #tpu.memory_space<semaphore_mem>>) {add = true}
      %sub3A_126 = arith.constant 4 : i32
      %sub3A_127 = arith.subi %add3A_72, %sub3A_126 : i32
      %add3A_128 = arith.constant 3 : i32
      %add3A_129 = arith.addi %sub3A_127, %add3A_128 : i32
      %dma_wait3A_130 = arith.constant 0 : i32
      %dma_wait3A_131 = tpu.memref_slice %arg6[%add3A_129, %dma_wait3A_130] : memref<196x128xi32, #tpu.memory_space<vmem>> -> memref<1x128xi32, #tpu.memory_space<vmem>>
      %dma_wait3A_132 = tpu.memref_squeeze %dma_wait3A_131 : memref<1x128xi32, #tpu.memory_space<vmem>> -> memref<128xi32, #tpu.memory_space<vmem>>
      %dma_wait3A_133 = arith.constant 0 : i32
      %dma_wait3A_134 = arith.constant 0 : i32
      %dma_wait3A_135 = tpu.memref_slice %arg8[%dma_wait3A_133, %dma_wait3A_134] : memref<50048x16xf32, #tpu.memory_space<vmem_shared>> -> memref<50048x16xf32, #tpu.memory_space<vmem_shared>>
      tpu.wait_indirect_dma semaphore(%arg12 : memref<!tpu.dma_semaphore, #tpu.memory_space<semaphore_mem>>) src(%arg7 : memref<128x16xf32, #tpu.memory_space<vmem>>) dst(%dma_wait3A_135 : memref<50048x16xf32, #tpu.memory_space<vmem_shared>>)
      %add3A_136 = arith.constant 3 : i32
      %add3A_137 = arith.addi %add3A_72, %add3A_136 : i32
      %dma_start3A_138 = arith.constant 0 : i32
      %dma_start3A_139 = tpu.memref_slice %arg6[%add3A_137, %dma_start3A_138] : memref<196x128xi32, #tpu.memory_space<vmem>> -> memref<1x128xi32, #tpu.memory_space<vmem>>
      %dma_start3A_140 = tpu.memref_squeeze %dma_start3A_139 : memref<1x128xi32, #tpu.memory_space<vmem>> -> memref<128xi32, #tpu.memory_space<vmem>>
      %dma_start3A_141 = arith.constant 0 : i32
      %dma_start3A_142 = arith.constant 0 : i32
      %dma_start3A_143 = tpu.memref_slice %arg8[%dma_start3A_141, %dma_start3A_142] : memref<50048x16xf32, #tpu.memory_space<vmem_shared>> -> memref<50048x16xf32, #tpu.memory_space<vmem_shared>>
      tpu.enqueue_indirect_dma source(%arg7 : memref<128x16xf32, #tpu.memory_space<vmem>>) target(%dma_start3A_143 : memref<50048x16xf32, #tpu.memory_space<vmem_shared>>) offsets(%dma_start3A_140 : memref<128xi32, #tpu.memory_space<vmem>>) semaphore(%arg12 : memref<!tpu.dma_semaphore, #tpu.memory_space<semaphore_mem>>) {add = true}
    }
    %scan3A_35 = arith.constant 48 : i32
    %dma_wait3A = arith.constant 192 : i32
    %dma_wait3A_36 = arith.constant 0 : i32
    %dma_wait3A_37 = tpu.memref_slice %arg6[%dma_wait3A, %dma_wait3A_36] : memref<196x128xi32, #tpu.memory_space<vmem>> -> memref<1x128xi32, #tpu.memory_space<vmem>>
    %dma_wait3A_38 = tpu.memref_squeeze %dma_wait3A_37 : memref<1x128xi32, #tpu.memory_space<vmem>> -> memref<128xi32, #tpu.memory_space<vmem>>
    %dma_wait3A_39 = arith.constant 0 : i32
    %dma_wait3A_40 = arith.constant 0 : i32
    %dma_wait3A_41 = tpu.memref_slice %arg8[%dma_wait3A_39, %dma_wait3A_40] : memref<50048x16xf32, #tpu.memory_space<vmem_shared>> -> memref<50048x16xf32, #tpu.memory_space<vmem_shared>>
    tpu.wait_indirect_dma semaphore(%arg9 : memref<!tpu.dma_semaphore, #tpu.memory_space<semaphore_mem>>) src(%arg7 : memref<128x16xf32, #tpu.memory_space<vmem>>) dst(%dma_wait3A_41 : memref<50048x16xf32, #tpu.memory_space<vmem_shared>>)
    %dma_wait3A_42 = arith.constant 193 : i32
    %dma_wait3A_43 = arith.constant 0 : i32
    %dma_wait3A_44 = tpu.memref_slice %arg6[%dma_wait3A_42, %dma_wait3A_43] : memref<196x128xi32, #tpu.memory_space<vmem>> -> memref<1x128xi32, #tpu.memory_space<vmem>>
    %dma_wait3A_45 = tpu.memref_squeeze %dma_wait3A_44 : memref<1x128xi32, #tpu.memory_space<vmem>> -> memref<128xi32, #tpu.memory_space<vmem>>
    %dma_wait3A_46 = arith.constant 0 : i32
    %dma_wait3A_47 = arith.constant 0 : i32
    %dma_wait3A_48 = tpu.memref_slice %arg8[%dma_wait3A_46, %dma_wait3A_47] : memref<50048x16xf32, #tpu.memory_space<vmem_shared>> -> memref<50048x16xf32, #tpu.memory_space<vmem_shared>>
    tpu.wait_indirect_dma semaphore(%arg10 : memref<!tpu.dma_semaphore, #tpu.memory_space<semaphore_mem>>) src(%arg7 : memref<128x16xf32, #tpu.memory_space<vmem>>) dst(%dma_wait3A_48 : memref<50048x16xf32, #tpu.memory_space<vmem_shared>>)
    %dma_wait3A_49 = arith.constant 194 : i32
    %dma_wait3A_50 = arith.constant 0 : i32
    %dma_wait3A_51 = tpu.memref_slice %arg6[%dma_wait3A_49, %dma_wait3A_50] : memref<196x128xi32, #tpu.memory_space<vmem>> -> memref<1x128xi32, #tpu.memory_space<vmem>>
    %dma_wait3A_52 = tpu.memref_squeeze %dma_wait3A_51 : memref<1x128xi32, #tpu.memory_space<vmem>> -> memref<128xi32, #tpu.memory_space<vmem>>
    %dma_wait3A_53 = arith.constant 0 : i32
    %dma_wait3A_54 = arith.constant 0 : i32
    %dma_wait3A_55 = tpu.memref_slice %arg8[%dma_wait3A_53, %dma_wait3A_54] : memref<50048x16xf32, #tpu.memory_space<vmem_shared>> -> memref<50048x16xf32, #tpu.memory_space<vmem_shared>>
    tpu.wait_indirect_dma semaphore(%arg11 : memref<!tpu.dma_semaphore, #tpu.memory_space<semaphore_mem>>) src(%arg7 : memref<128x16xf32, #tpu.memory_space<vmem>>) dst(%dma_wait3A_55 : memref<50048x16xf32, #tpu.memory_space<vmem_shared>>)
    %dma_wait3A_56 = arith.constant 195 : i32
    %dma_wait3A_57 = arith.constant 0 : i32
    %dma_wait3A_58 = tpu.memref_slice %arg6[%dma_wait3A_56, %dma_wait3A_57] : memref<196x128xi32, #tpu.memory_space<vmem>> -> memref<1x128xi32, #tpu.memory_space<vmem>>
    %dma_wait3A_59 = tpu.memref_squeeze %dma_wait3A_58 : memref<1x128xi32, #tpu.memory_space<vmem>> -> memref<128xi32, #tpu.memory_space<vmem>>
    %dma_wait3A_60 = arith.constant 0 : i32
    %dma_wait3A_61 = arith.constant 0 : i32
    %dma_wait3A_62 = tpu.memref_slice %arg8[%dma_wait3A_60, %dma_wait3A_61] : memref<50048x16xf32, #tpu.memory_space<vmem_shared>> -> memref<50048x16xf32, #tpu.memory_space<vmem_shared>>
    tpu.wait_indirect_dma semaphore(%arg12 : memref<!tpu.dma_semaphore, #tpu.memory_space<semaphore_mem>>) src(%arg7 : memref<128x16xf32, #tpu.memory_space<vmem>>) dst(%dma_wait3A_62 : memref<50048x16xf32, #tpu.memory_space<vmem_shared>>)
    %barrier3A_63 = arith.constant 0 : index
    tpu.barrier barrier_id(%barrier3A_63)
    %mul3A_64 = arith.constant 3128 : i32
    %mul3A_65 = arith.muli %arg1, %mul3A_64 : i32
    %mul3A_66 = arith.constant 3128 : i32
    %mul3A_67 = arith.muli %arg1, %mul3A_66 : i32
    "tpu.region"() ({
      %run_scoped3A = tpu.sem_alloc : memref<!tpu.dma_semaphore, #tpu.memory_space<semaphore_mem>>
      %dma_start3A_68 = arith.constant 0 : i32
      %dma_start3A_69 = arith.constant 0 : i32
      %dma_start3A_70 = tpu.memref_slice %arg5[%arg0, %dma_start3A_68, %dma_start3A_69] : memref<2x50048x16xf32, #tpu.memory_space<hbm>> -> memref<1x50048x16xf32, #tpu.memory_space<hbm>>
      %dma_start3A_71 = tpu.memref_squeeze %dma_start3A_70 : memref<1x50048x16xf32, #tpu.memory_space<hbm>> -> memref<50048x16xf32, #tpu.memory_space<hbm>>
      %dma_start3A_72 = arith.constant 0 : i32
      %dma_start3A_73 = tpu.memref_slice %dma_start3A_71[%mul3A_67, %dma_start3A_72] : memref<50048x16xf32, #tpu.memory_space<hbm>> -> memref<3128x16xf32, #tpu.memory_space<hbm>>
      %dma_start3A_74 = arith.constant 0 : i32
      %dma_start3A_75 = tpu.memref_slice %arg8[%mul3A_65, %dma_start3A_74] : memref<50048x16xf32, #tpu.memory_space<vmem_shared>> -> memref<3128x16xf32, #tpu.memory_space<vmem_shared>>
      tpu.enqueue_dma source(%dma_start3A_75 : memref<3128x16xf32, #tpu.memory_space<vmem_shared>>) target(%dma_start3A_73 : memref<3128x16xf32, #tpu.memory_space<hbm>>) target_semaphore(%run_scoped3A : memref<!tpu.dma_semaphore, #tpu.memory_space<semaphore_mem>>)
      %dma_wait3A_76 = arith.constant 0 : i32
      %dma_wait3A_77 = arith.constant 0 : i32
      %dma_wait3A_78 = tpu.memref_slice %arg5[%arg0, %dma_wait3A_76, %dma_wait3A_77] : memref<2x50048x16xf32, #tpu.memory_space<hbm>> -> memref<1x50048x16xf32, #tpu.memory_space<hbm>>
      %dma_wait3A_79 = tpu.memref_squeeze %dma_wait3A_78 : memref<1x50048x16xf32, #tpu.memory_space<hbm>> -> memref<50048x16xf32, #tpu.memory_space<hbm>>
      %dma_wait3A_80 = arith.constant 0 : i32
      %dma_wait3A_81 = tpu.memref_slice %dma_wait3A_79[%mul3A_67, %dma_wait3A_80] : memref<50048x16xf32, #tpu.memory_space<hbm>> -> memref<3128x16xf32, #tpu.memory_space<hbm>>
      %dma_wait3A_82 = arith.constant 0 : i32
      %dma_wait3A_83 = tpu.memref_slice %arg8[%mul3A_65, %dma_wait3A_82] : memref<50048x16xf32, #tpu.memory_space<vmem_shared>> -> memref<3128x16xf32, #tpu.memory_space<vmem_shared>>
      tpu.wait_dma2 semaphore(%run_scoped3A : memref<!tpu.dma_semaphore, #tpu.memory_space<semaphore_mem>>) src(%dma_wait3A_83 : memref<3128x16xf32, #tpu.memory_space<vmem_shared>>) dst(%dma_wait3A_81 : memref<3128x16xf32, #tpu.memory_space<hbm>>)
      tpu.yield
    }) : () -> ()
    return
  }
}

</mosaic_0001>

<sc_bundles>
// kernel: _deg_call.3.cloned.1.call-start
scs
__scs_entry_jumppad:
0x0: {  	(pc) =	sbr.rel $0x88, $3  }
0x1: {  	(tag) =	ssettag $0x0;
	lr =	simm.s32 $0x1  }
0x2: {  	[smem:$0x3F9E] =	sst lr;
	_ =	strace $0xD0000000  }
0x3: {  	_ = 	snop  }
0x4: {  	_ = 	snop  }
0x5: {  	_ = 	snop  }
0x6: {  	_ = 	snop  }
0x7: {  	_ = 	snop  }
__scs_overlays_trampoline_lowered:
0x8: {  	[smem:$0x3FAD] =	sst s0  }
0x9: {  	[smem:$0x3FAE] =	sst s1  }
0xa: {  	[smem:$0x3FAF] =	sst s2  }
0xb: {  	[smem:$0x3FB0] =	sst s3  }
0xc: {  	[smem:$0x3FB1] =	sst s4  }
0xd: {  	[smem:$0x3FB2] =	sst s5  }
0xe: {  	[smem:$0x3FB3] =	sst s6  }
0xf: {  	[smem:$0x3FB4] =	sst s7  }
0x10: {  	[smem:$0x3FB5] =	sst s8  }
0x11: {  	[smem:$0x3FB6] =	sst s9;
	s0 =	simm.s32 @!p0 $0x0  }
0x12: {  	s1 =	sld [smem:$0x3F9C];
	s0 =	simm.s32 @p0 $0x1  }
0x13: {  	[smem:$0x3FB7] =	sst s0;
	s0 =	simm.s32 @!p1 $0x0  }
0x14: {  	s2 =	sld [smem:$0x3F9B];
	s0 =	simm.s32 @p1 $0x1  }
0x15: {  	[smem:$0x3FB8] =	sst s0;
	s0 =	simm.s32 @!p2 $0x0  }
0x16: {  	s3 =	sld [smem:$0x3FDB];
	s0 =	simm.s32 @p2 $0x1  }
0x17: {  	s4 =	simm.s32 $0x1BF5;
	[smem:$0x3FBA] =	sst s0  }
0x18: {  	s0 =	sld [smem:$0x3F9D];
	_ =	swait.ge [sflag:s4], $0x0  }
0x19: {  	s7 =	sld [smem:$0x3F9E]  }
0x1a: {  	s8 =	sadd.s32 $0xFFFFE003, lr  }
0x1b: {  	s9 =	sadd.s32 $0xFFFFFEF7, lr;
	s5 =	simm.s32 $0xFFFFFFFF;
	p2 =	slt.u32 s8, $0xFFFFF086  }
0x1c: {  	p1 =	slt.u32 s9, $0xF7A;
	s5 =	simm.s32 @!p2 $0x0  }
0x1d: {  	s5 =	simm.s32 @p1 $0x1;
	p0 =	seq.s32 s7, s2  }
0x1e: {  	s7 =	smul.u32 @!p0 $0xF7A, s2;
	p2 =	seq.s32 @!p0 s5, $0x0  }
0x1f: {  	s9 =	smul.u32 $0xF7A, s1;
	s8 =	simm.s32 @!p0 $0x1BF5;
	p2 =	por !p2, p0  }
0x20: {  	[sflag:s8] =	ssyncset.s32 @!p0 $0xFFFFF086;
	s6 =	sadd.s32 @!p0 s3, s7;
	s7 =	simm.s32 @!p0 $0x108  }
0x21: {  	s3 =	sadd.s32 s3, s9;
	s6 =	sadd.s32 @!p0 $0x88, s6;
	s7 =	simm.s32 @p2 $0x1082  }
0x22: {  	[simem:s7], [sflag:s8] =	dma.local @!p0 [hbm:s6], $0xF7A  }
0x23: {  	s9 =	sor.u32 $0xD0000000, s2;
	s6 =	simm.s32 $0x108;
	_ =	swait.ge @!p0 [sflag:s8], $0x0  }
0x24: {  	s3 =	sadd.s32 $0x88, s3;
	s6 =	simm.s32 @!p1 $0x1082;
	[sflag:s4] =	ssyncset.s32 $0xFFFFF086  }
0x25: {  	[simem:s6], [sflag:s4] =	dma.local [hbm:s3], $0xF7A  }
0x26: {  	[smem:$0x3F9E] =	sst s1;
	(tag) =	ssettag s2;
	_ =	strace s9  }
0x27: {  	s1 =	sld [smem:$0x3FAE]  }
0x28: {  	s2 =	sld [smem:$0x3FAF]  }
0x29: {  	s4 =	sld [smem:$0x3FB1]  }
0x2a: {  	p0 =	seq.s32 s5, $0x0;
	s5 =	sld [smem:$0x3FB2]  }
0x2b: {  	s6 =	sld [smem:$0x3FB3]  }
0x2c: {  	s7 =	sld [smem:$0x3FB4]  }
0x2d: {  	s3 =	simm.s32 $0x108;
	s8 =	sld [smem:$0x3FB5]  }
0x2e: {  	s3 =	simm.s32 @!p0 $0x1082;
	s9 =	sld [smem:$0x3FB6]  }
0x2f: {  	lr =	sadd.s32 s0, s3;
	s0 =	sld [smem:$0x3FAD]  }
0x30: {  	s3 =	sld [smem:$0x3FB0]  }
0x31: {  	[smem:$0x3FB9] =	sst s10  }
0x32: {  	s10 =	sld [smem:$0x3FB7];
	_ =	sdelay $0x3  }
0x33: {  	p0 =	seq.s32 s10, $0x1;
	s10 =	sld [smem:$0x3FB9];
	_ =	sdelay $0x3  }
0x34: {  	[smem:$0x3FB9] =	sst s10  }
0x35: {  	s10 =	sld [smem:$0x3FB8];
	_ =	sdelay $0x3  }
0x36: {  	p1 =	seq.s32 s10, $0x1;
	s10 =	sld [smem:$0x3FB9];
	_ =	sdelay $0x3  }
0x37: {  	[smem:$0x3FB9] =	sst s10  }
0x38: {  	s10 =	sld [smem:$0x3FBA]  }
0x39: {  	_ = 	snop;
	(pc) =	sbr.ind lr, $3  }
0x3a: {  	_ = 	snop  }
0x3b: {  	_ = 	snop  }
0x3c: {  	p2 =	seq.s32 s10, $0x1;
	s10 =	sld [smem:$0x3FB9]  }
0x3d: {  	_ =	shalt  }
0x3e: {  	_ =	shalt  }
0x3f: {  	_ =	shalt  }
0x40: {  	_ =	shalt  }
0x41: {  	_ =	shalt  }
0x42: {  	_ =	shalt  }
0x43: {  	_ =	shalt  }
0x44: {  	_ =	shalt  }
0x45: {  	_ =	shalt  }
0x46: {  	_ =	shalt  }
0x47: {  	_ =	shalt  }
0x48: {  	_ =	shalt  }
0x49: {  	_ =	shalt  }
0x4a: {  	_ =	shalt  }
0x4b: {  	_ =	shalt  }
0x4c: {  	_ =	shalt  }
0x4d: {  	_ =	shalt  }
0x4e: {  	_ =	shalt  }
0x4f: {  	_ =	shalt  }
0x50: {  	_ =	shalt  }
0x51: {  	_ =	shalt  }
0x52: {  	_ =	shalt  }
0x53: {  	_ =	shalt  }
0x54: {  	_ =	shalt  }
0x55: {  	_ =	shalt  }
0x56: {  	_ =	shalt  }
0x57: {  	_ =	shalt  }
0x58: {  	_ =	shalt  }
0x59: {  	_ =	shalt  }
0x5a: {  	_ =	shalt  }
0x5b: {  	_ =	shalt  }
0x5c: {  	_ =	shalt  }
0x5d: {  	_ =	shalt  }
0x5e: {  	_ =	shalt  }
0x5f: {  	_ =	shalt  }
0x60: {  	_ =	shalt  }
0x61: {  	_ =	shalt  }
0x62: {  	_ =	shalt  }
0x63: {  	_ =	shalt  }
0x64: {  	_ =	shalt  }
0x65: {  	_ =	shalt  }
0x66: {  	_ =	shalt  }
0x67: {  	_ =	shalt  }
0x68: {  	_ =	shalt  }
0x69: {  	_ =	shalt  }
0x6a: {  	_ =	shalt  }
0x6b: {  	_ =	shalt  }
0x6c: {  	_ =	shalt  }
0x6d: {  	_ =	shalt  }
0x6e: {  	_ =	shalt  }
0x6f: {  	_ =	shalt  }
0x70: {  	_ =	shalt  }
0x71: {  	_ =	shalt  }
0x72: {  	_ =	shalt  }
0x73: {  	_ =	shalt  }
0x74: {  	_ =	shalt  }
0x75: {  	_ =	shalt  }
0x76: {  	_ =	shalt  }
0x77: {  	_ =	shalt  }
0x78: {  	_ =	shalt  }
0x79: {  	_ =	shalt  }
0x7a: {  	_ =	shalt  }
0x7b: {  	_ =	shalt  }
0x7c: {  	_ =	shalt  }
0x7d: {  	_ =	shalt  }
0x7e: {  	_ =	shalt  }
0x7f: {  	_ =	shalt  }
0x80: {  	_ =	shalt  }
0x81: {  	_ =	shalt  }
0x82: {  	_ =	shalt  }
0x83: {  	_ =	shalt  }
0x84: {  	_ =	shalt  }
0x85: {  	_ =	shalt  }
0x86: {  	_ =	shalt  }
0x87: {  	_ =	shalt  }
.Lfunc_end0:
.L_simem_size_0:
called_computation_lowered:
.L_overlay_start_0:
0x88: {  	s2 =	sld [smem:$0x3FD9]  }
0x89: {  	s3 =	sld [smem:$0x3FFE];
	_ =	sdelay $0x1  }
0x8a: {  	s1 =	srdreg.scid  }
0x8b: {  	s0 =	sand.u32 $0x1, s1  }
0x8c: {  	s17 =	sshll.u32 s0, $0xA;
	s2 =	sadd.s32 s3, s2  }
0x8d: {  	s2 =	sadd.s32 s2, s17  }
0x8e: {  	[smem:$0x3FC5] =	sst s2  }
0x8f: {  	_ = 	snop  }
0x90: {  	s2 =	sld [smem:$0x3FD0];
	(tm) =	ssettm $0x1  }
0x91: {  	s18 =	sld [smem:$0x3FFB];
	_ =	sdelay $0x3  }
0x92: {  	_ =	strace s18  }
0x93: {  	s3 =	sld [smem:$0x3FFC];
	_ =	sdelay $0x3  }
0x94: {  	_ =	strace s3  }
0x95: {  	s3 =	sld [smem:$0x3FFD];
	_ =	sdelay $0x3  }
0x96: {  	_ =	strace s3  }
0x97: {  	_ =	strace $0x8FFFFFFF  }
0x98: {  	s19 =	sld [smem:$0x3FDB];
	_ =	sdelay $0x1  }
0x99: {  	s4 =	simm.s32 $_scs_section_size  }
0x9a: {  	s5 =	simm.s32 $_size__tile_overlayer_lowered;
	s6 =	simm.s32 $_tile_overlayer_lowered  }
0x9b: {  	s22 =	simm.s32 $0x1BFF;
	s21 =	sshll.u32 s6, $0x1;
	s3 =	sadd.s32 s4, s19  }
0x9c: {  	s7 =	simm.s32 $0x0;
	s20 =	sshll.u32 s5, $0x1;
	s5 =	sadd.s32 s21, s3  }
0x9d: {  	[timem:s7], [sflag:s22] =	dma.local [hbm:s5], s20  }
0x9e: {  	_ =	swait.ge [sflag:s22], s20  }
0x9f: {  	s4 =	ssub.s32 $0x0, s20;
	[sflag:s22] =	ssyncset.done $0x0  }
0xa0: {  	[sflag:s22] =	ssyncadd.s32 s4;
	_ =	sdelay $0x1  }
0xa1: {  	s23 =	simm.s32 $0x1B8B  }
0xa2: {  	_ =	swait.ge [sflag:s23], $0x1  }
0xa3: {  	[sflag:s23] =	ssyncset.done $0x0  }
0xa4: {  	s25 =	simm.s32 $0x1B8E;
	s24 =	sld [smem:$0x3FFE];
	[sflag:s23] =	ssyncadd.s32 $0xFFFFFFFF  }
0xa5: {  	s26 =	simm.s32 $execute0_lowered;
	[smem:$0x3FD2] =	sst s25  }
0xa6: {  	s5 =	sshll.u32 s26, $0x1;
	_ =	strace $0x80000046;
	[dreg:$0x1] =	wrdreg $0xFFFFFFFF  }
0xa7: {  	s28 =	simm.s32 $_size_execute0_lowered;
	s3 =	sadd.s32 s3, s5;
	[dreg:$0x0] =	wrdreg $0x0  }
0xa8: {  	s5 =	sshll.u32 s28, $0x1;
	[dreg:$0x2] =	wrdreg s3  }
0xa9: {  	[dreg:$0x3] =	wrdreg s5  }
0xaa: {  	[dreg:$0x4] =	wrdreg $0xC0  }
0xab: {  	_ =	task [dreg:s7], $0x5FFFF  }
0xac: {  	[dreg:$0x1] =	wrdreg $0xFFFFFFFF  }
0xad: {  	[dreg:$0x0] =	wrdreg $0x60  }
0xae: {  	[dreg:$0x2] =	wrdreg s24  }
0xaf: {  	[dreg:$0x3] =	wrdreg s2  }
0xb0: {  	[dreg:$0x4] =	wrdreg $0x6A000  }
0xb1: {  	[dreg:$0x5] =	wrdreg $0x9  }
0xb2: {  	_ =	task.clear_ibuf [dreg:s7], $0x6FFFF;
	_ =	strace $0x90000046  }
0xb3: {  	s29 =	simm.s32 $0x9;
	_ =	strace $0x80000048  }
0xb4: {  	_ =	swait.ge [sflag:s29], $0x1  }
0xb5: {  	[sflag:s29] =	ssyncadd.s32 $0xFFFFFFFF  }
0xb6: {  	_ =	strace $0x90000048  }
0xb7: {  	_ =	sfence  }
0xb8: {  	s30 =	sld [smem:$0x0];
	_ =	sdelay $0x2  }
0xb9: {  	s31 =	sshll.u32 s1, $0xD;
	s1 =	sshrl.u32 s1, $0x2  }
0xba: {  	s3 =	sand.u32 $0x4000, s31;
	s1 =	sadd.s32 s1, s30  }
0xbb: {  	s0 =	sor.u32 s3, s0;
	s1 =	sshll.u32 s1, $0x11  }
0xbc: {  	s0 =	sor.u32 s1, s0  }
0xbd: {  	s0 =	sadd.s32 $0x8F2B, s0  }
0xbe: {  	[sflag:s0] =	ssyncadd.remote.s32 $0x1  }
0xbf: {  	_ =	sfence.sel $0xFFFF  }
0xc0: {  	[dreg:$0x0] =	wrdreg $0xFFFFFFFF;
	(pc) =	sbr.abs _section_cstart, $3  }
0xc1: {  	[dreg:$0x1] =	wrdreg $0xFFFFFFFF  }
0xc2: {  	_ =	task.clear_ibuf [dreg:s7], $0x2FFFF;
	_ =	strace $0x9FFFFFFF  }
0xc3: {  	(tm) =	ssettm $0x7FFFFFFF  }
tec
execute0_lowered:
.L_overlay_start_1:
0x0: {  	(tag) =	ssettag $0x1  }
0x1: {  	s5 =	rddreg [dreg:$0x0]  }
0x2: {  	s0 =	srdreg.scid;
	s7 =	rddreg [dreg:$0x1]  }
0x3: {  	s2 =	rddreg [dreg:$0x2];
	s1 =	stileid.u32  }
0x4: {  	s3 =	simm.s32 $0x0;
	s13 =	simm.s32 $0x100;
	s14 =	simm.s32 $0x180  }
0x5: {  	s15 =	simm.s32 $0x1;
	s16 =	simm.s32 $0x2;
	s17 =	simm.s32 $0x3  }
0x6: {  	s18 =	simm.s32 $0x4;
	s6 =	sand.u32 $0x1, s0;
	s0 =	rddreg [dreg:$0x3]  }
0x7: {  	[smem:$0x7FF] =	sst s3;
	s8 =	smul.u32 $0xC380, s1;
	s31 =	sshll.u32 s1, $0x6  }
0x8: {  	s4 =	sshll.u32 s6, $0x4;
	_ =	strace $0x80000047;
	s10 =	ssub.s32 $0x2, s6  }
0x9: {  	s12 =	smul.u32 $0x18700, s6;
	s4 =	sor.u32 s1, s4;
	s19 =	sshrl.u32 s8, $0x3  }
0xa: {  	s11 =	sshrl.u32 s10, $0x1;
	s30 =	sadd.s32 s8, s2;
	s8 =	simm.s32 $0x5  }
0xb: {  	s4 =	smul.u32 $0xC40, s4;
	s29 =	sadd.s32 s19, s5;
	s10 =	ssub.s32 s10, s11  }
0xc: {  	s20 =	sadd.s32 s7, s12;
	s11 =	sshrl.u32 s30, $0x3;
	s12 =	simm.s32 $0x80  }
0xd: {  	s6 =	sadd.s32 $0x19000, s29;
	s7 =	smax.u32 s10, $0x1;
	s10 =	sor.u32 $0x1C05, s31  }
0xe: {  	s19 =	sadd.s32 s19, s20;
	s20 =	simm.s32 $0x0;
	s9 =	sadd.s32 s4, s5  }
0xf: {  	s4 =	sadd.s32 $0x600, s5;
	s5 =	sadd.s32 $0x800, s9;
	s9 =	simm.s32 $0x6200  }
.LBB2_1:
0x10: {  	[tilespmem:s3], [sflag:$0x5] =	stream.linear.gather [hbm4b:s5+s3], $0x6200, $0x38;
	[tilespmem:$0x12D80] =	vst v63  }
0x11: {  	_ =	swait.ge [sflag:s8], $0x6200  }
0x12: {  	[sflag:s8] =	ssyncset.done $0x0  }
0x13: {  	[sflag:s8] =	ssyncadd.s32 $0xFFFF9E00  }
0x14: {  	[tilespmem:s9], [sflag:$0x5] =	stream.linear.gather [hbm4b:s4+s3], $0x800, $0x38;
	[tilespmem:$0x12D80] =	vst v63  }
0x15: {  	_ =	swait.ge [sflag:s8], $0x800  }
0x16: {  	[sflag:s8] =	ssyncset.done $0x0  }
0x17: {  	[sflag:s8] =	ssyncadd.s32 $0xFFFFF800  }
0x18: {  	[spmem:s11], [sflag:s10] =	dma.local [hbm:s6], $0x1870  }
0x19: {  	_ =	swait.ge [sflag:s8], $0x1870  }
0x1a: {  	[sflag:s8] =	ssyncset.done $0x0  }
0x1b: {  	[sflag:s8] =	ssyncadd.s32 $0xFFFFE790  }
0x1c: {  	[bflag:$0x0] =	sbarrier.arrive $0xFFFF  }
0x1d: {  	[spmem:s2] =	stream.indirect.scatter.add.f32 [tilespmem:s9], [sflag:$0x1], $0x10, s3, s12, $0xb8;
	[tilespmem:$0x12D80] =	vst v63  }
0x1e: {  	_ = 	snop  }
0x1f: {  	[spmem:s2] =	stream.indirect.scatter.add.f32 [tilespmem:s9], [sflag:$0x2], $0x10, s12, s12, $0xb8;
	[tilespmem:$0x12D80] =	vst v63  }
0x20: {  	_ = 	snop  }
0x21: {  	[spmem:s2] =	stream.indirect.scatter.add.f32 [tilespmem:s9], [sflag:$0x3], $0x10, s13, s12, $0xb8;
	[tilespmem:$0x12D80] =	vst v63  }
0x22: {  	_ = 	snop  }
0x23: {  	[spmem:s2] =	stream.indirect.scatter.add.f32 [tilespmem:s9], [sflag:$0x4], $0x10, s14, s12, $0xb8;
	[tilespmem:$0x12D80] =	vst v63  }
0x24: {  	_ =	swait.ge [sflag:s15], $0x800  }
0x25: {  	[sflag:s15] =	ssyncset.done $0x0  }
0x26: {  	s21 =	simm.s32 $0x200;
	[sflag:s15] =	ssyncadd.s32 $0xFFFFF800  }
0x27: {  	[spmem:s2] =	stream.indirect.scatter.add.f32 [tilespmem:s9], [sflag:$0x1], $0x10, s21, s12, $0xb8;
	[tilespmem:$0x12D80] =	vst v63  }
0x28: {  	_ =	swait.ge [sflag:s16], $0x800  }
0x29: {  	[sflag:s16] =	ssyncset.done $0x0  }
0x2a: {  	s30 =	simm.s32 $0x280;
	[sflag:s16] =	ssyncadd.s32 $0xFFFFF800  }
0x2b: {  	[spmem:s2] =	stream.indirect.scatter.add.f32 [tilespmem:s9], [sflag:$0x2], $0x10, s30, s12, $0xb8;
	[tilespmem:$0x12D80] =	vst v63  }
0x2c: {  	_ =	swait.ge [sflag:s17], $0x800  }
0x2d: {  	[sflag:s17] =	ssyncset.done $0x0  }
0x2e: {  	s31 =	simm.s32 $0x300;
	[sflag:s17] =	ssyncadd.s32 $0xFFFFF800  }
0x2f: {  	[spmem:s2] =	stream.indirect.scatter.add.f32 [tilespmem:s9], [sflag:$0x3], $0x10, s31, s12, $0xb8;
	[tilespmem:$0x12D80] =	vst v63  }
0x30: {  	_ =	swait.ge [sflag:s18], $0x800  }
0x31: {  	[sflag:s18] =	ssyncset.done $0x0  }
0x32: {  	s22 =	simm.s32 $0x380;
	s21 =	simm.s32 $0xFFFE8800;
	[sflag:s18] =	ssyncadd.s32 $0xFFFFF800  }
.LBB2_2:
0x33: {  	[spmem:s2] =	stream.indirect.scatter.add.f32 [tilespmem:s9], [sflag:$0x4], $0x10, s22, s12, $0xb8;
	[tilespmem:$0x12D80] =	vst v63  }
0x34: {  	s22 =	smov.u32 s21  }
0x35: {  	p0 =	sne.s32 s21, $0xFFFFF800;
	s21 =	sadd.s32 $0x800, s21;
	_ =	swait.ge [sflag:s15], $0x800  }
0x36: {  	s22 =	sshra.s32 s22, $0x2;
	[sflag:s15] =	ssyncset.done $0x0  }
0x37: {  	s23 =	sadd.s32 $0x6200, s22;
	[sflag:s15] =	ssyncadd.s32 $0xFFFFF800  }
0x38: {  	[spmem:s2] =	stream.indirect.scatter.add.f32 [tilespmem:s9], [sflag:$0x1], $0x10, s23, s12, $0xb8;
	[tilespmem:$0x12D80] =	vst v63  }
0x39: {  	_ =	swait.ge [sflag:s16], $0x800  }
0x3a: {  	[sflag:s16] =	ssyncset.done $0x0  }
0x3b: {  	s23 =	sadd.s32 $0x6280, s22;
	[sflag:s16] =	ssyncadd.s32 $0xFFFFF800  }
0x3c: {  	[spmem:s2] =	stream.indirect.scatter.add.f32 [tilespmem:s9], [sflag:$0x2], $0x10, s23, s12, $0xb8;
	[tilespmem:$0x12D80] =	vst v63  }
0x3d: {  	_ =	swait.ge [sflag:s17], $0x800  }
0x3e: {  	[sflag:s17] =	ssyncset.done $0x0  }
.Ltmp0:
0x3f: {  	s23 =	sadd.s32 $0x6300, s22;
	[sflag:s17] =	ssyncadd.s32 $0xFFFFF800;
	(pc) =	sbr.rel @p0 .LBB2_2-.Ltmp0, $4  }
0x40: {  	[spmem:s2] =	stream.indirect.scatter.add.f32 [tilespmem:s9], [sflag:$0x3], $0x10, s23, s12, $0xb8;
	[tilespmem:$0x12D80] =	vst v63  }
0x41: {  	_ =	swait.ge [sflag:s18], $0x800  }
0x42: {  	[sflag:s18] =	ssyncset.done $0x0  }
0x43: {  	s22 =	sadd.s32 $0x6380, s22;
	[sflag:s18] =	ssyncadd.s32 $0xFFFFF800  }
0x44: {  	[spmem:s2] =	stream.indirect.scatter.add.f32 [tilespmem:s9], [sflag:$0x4], $0x10, s22, s12, $0xb8;
	[tilespmem:$0x12D80] =	vst v63  }
0x45: {  	_ =	swait.ge [sflag:s15], $0x800  }
0x46: {  	[sflag:s15] =	ssyncset.done $0x0  }
0x47: {  	[sflag:s15] =	ssyncadd.s32 $0xFFFFF800  }
0x48: {  	_ =	swait.ge [sflag:s16], $0x800  }
0x49: {  	[sflag:s16] =	ssyncset.done $0x0  }
0x4a: {  	[sflag:s16] =	ssyncadd.s32 $0xFFFFF800  }
0x4b: {  	_ =	swait.ge [sflag:s17], $0x800  }
0x4c: {  	[sflag:s17] =	ssyncset.done $0x0  }
0x4d: {  	[sflag:s17] =	ssyncadd.s32 $0xFFFFF800  }
0x4e: {  	_ =	swait.ge [sflag:s18], $0x800  }
0x4f: {  	s20 =	sadd.s32 $0x1, s20;
	[sflag:s18] =	ssyncset.done $0x0  }
0x50: {  	p0 =	sne.s32 s20, s7;
	[sflag:s18] =	ssyncadd.s32 $0xFFFFF800  }
.Ltmp1:
0x51: {  	[bflag:$0x0] =	sbarrier.arrive $0xFFFF;
	(pc) =	sbr.rel @p0 .LBB2_1-.Ltmp1, $4  }
0x52: {  	[hbm:s19], [sflag:s10] =	dma.local [spmem:s11], $0x1870  }
0x53: {  	_ =	swait.ge [sflag:s8], $0x1870  }
0x54: {  	[sflag:s8] =	ssyncset.done $0x0  }
0x55: {  	[sflag:s8] =	ssyncadd.s32 $0xFFFFE790  }
0x56: {  	_ =	sfence.sel $0x180000  }
0x57: {  	[bflag:$0x0] =	sbarrier.arrive $0xFFFF  }
0x58: {  	p0 =	sne.s32 s1, $0x0;
	_ =	strace $0x90000047  }
0x59: {  	s0 =	sadd.s32 @!p0 $0x100000, s0;
	[bflag:$0x2] =	sbarrier.arrive $0xFFFF  }
0x5a: {  	[sflag:s0] =	ssyncadd.tile.s32 @!p0 $0x1;
	_ =	shalt  }
.Lfunc_end2:
_tile_overlayer_lowered:
.L_overlay_start_2:
0x5b: {  	(tag) =	ssettag $0x2  }
0x5c: {  	s0 =	rddreg [dreg:$0x0];
	s2 =	stileid.u32  }
0x5d: {  	s1 =	rddreg [dreg:$0x1];
	p0 =	sne.s32 s2, $0x0  }
0x5e: {  	s3 =	rddreg [dreg:$0x2];
	[bflag:$0x3] =	sbarrier.arrive $0xFFFF;
	s2 =	simm.s32 @!p0 $0x1C05  }
0x5f: {  	[timem:s3], [sflag:s2] =	dma.local @!p0 [hbm:s0], s1  }
0x60: {  	s0 =	simm.s32 @!p0 $0x5  }
0x61: {  	_ =	swait.ge @!p0 [sflag:s0], s1  }
0x62: {  	s1 =	ssub.s32 @!p0 $0x0, s1;
	[sflag:s0] =	ssyncset.done @!p0 $0x0  }
0x63: {  	[sflag:s0] =	ssyncadd.s32 @!p0 s1  }
0x64: {  	[bflag:$0x3] =	sbarrier.arrive $0xFFFF  }
0x65: {  	_ =	shalt  }

</sc_bundles>
